<compile_context>
chip_gen: v7x
topology: tpu7x:2x2x1
jax: 0.10.2.dev20260603
libtpu: 0.0.44.dev20260713+nightly
codegen_flags: <defaults>
</compile_context>

<pallas_src>
import jax
import jax.numpy as jnp
from jax import lax
from jax.experimental import pallas as pl
from jax.experimental.pallas import tpu as pltpu
from jax.experimental.pallas import tpu_sc as plsc

N_NODES = 10000
N_PAIRS = 640000
MAXD = 20

NC = 2
NS = 16
NW = NC * NS
L = 16

PER_TILE = N_PAIRS // NW
CHUNK = 80
NCHUNK = PER_TILE // CHUNK
B_PAD = 32
HPRIME = 127


def _body(lin_hbm, idx_hbm, b_hbm, out_hbm, lin_v, idx_v, val2, lin2, b_v, sem):
    cid = lax.axis_index("c")
    sid = lax.axis_index("s")
    wid = sid * NC + cid
    base = wid * PER_TILE

    pltpu.sync_copy(b_hbm, b_v)
    pltpu.sync_copy(lin_hbm.at[pl.ds(base, PER_TILE)], lin_v)
    pltpu.sync_copy(idx_hbm.at[pl.ds(base, PER_TILE)], idx_v)

    @pl.loop(0, NCHUNK)
    def _compute(j):
        for t in range(CHUNK // L):
            sl = pl.ds(j * CHUNK + t * L, L)
            val = plsc.load_gather(b_v, [idx_v[sl]])
            val2[j, pl.ds(t * L, L)] = val
            lin2[j, pl.ds(t * L, L)] = lin_v[sl]

    @pl.loop(0, NCHUNK)
    def _scatter(j):
        pltpu.sync_copy(val2.at[j], out_hbm.at[lin2.at[j]])


@jax.jit
def _run(lin, win_idx, b_pad):
    out_ref = jax.new_ref(jnp.zeros((N_NODES * N_NODES,), jnp.float32))
    mesh = plsc.VectorSubcoreMesh(
        core_axis_name="c", subcore_axis_name="s", num_cores=NC, num_subcores=NS
    )
    scatter = pl.kernel(
        _body,
        out_type=(),
        mesh=mesh,
        compiler_params=pltpu.CompilerParams(needs_layout_passes=False),
        scratch_types=[
            pltpu.VMEM((PER_TILE,), jnp.int32),
            pltpu.VMEM((PER_TILE,), jnp.int32),
            pltpu.VMEM((NCHUNK, CHUNK), jnp.float32),
            pltpu.VMEM((NCHUNK, CHUNK), jnp.int32),
            pltpu.VMEM((B_PAD,), jnp.float32),
            pltpu.SemaphoreType.DMA,
        ],
    )
    scatter(lin, win_idx, b_pad, out_ref)
    return jax.freeze(out_ref).reshape(N_NODES, N_NODES)


def kernel(x, distances, distances_index, b):
    del x
    lin = distances_index[0] * N_NODES + distances_index[1]
    idxb = jnp.minimum(distances, float(MAXD - 1)).astype(jnp.int32)
    pos = jnp.arange(N_PAIRS, dtype=jnp.int32)

    h = ((pos % HPRIME) + 1).astype(jnp.int8)
    marks = jnp.zeros((N_NODES * N_NODES,), jnp.int8).at[lin].set(h)
    win = marks[lin] == h

    sk, sp = lax.sort((lin, pos), num_keys=1)
    seg = jnp.cumsum(jnp.concatenate(
        [jnp.zeros((1,), jnp.int32), (sk[1:] != sk[:-1]).astype(jnp.int32)]))
    cand = jnp.where(win[sp], idxb[sp], -1)
    segmax = jnp.full((N_PAIRS,), -1, jnp.int32).at[seg].max(cand)
    win_idx = jnp.zeros((N_PAIRS,), jnp.int32).at[sp].set(segmax[seg])

    b_pad = jnp.zeros((B_PAD,), b.dtype).at[:MAXD].set(b)
    return _run(lin, win_idx, b_pad)

# --- scband reference (transcript-rebuilt; emitter-appended) ---
"""Pipeline reference for scband-spatial-encoding-8727373545993 (READ-ONLY COPY).

The authoritative reference and input builder live on the scoring server;
editing this copy changes nothing except your own understanding.
"""

import jax, jax.numpy as jnp
import numpy as np

MAX_PATH_DISTANCE = 20
N_NODES = 10000
D_FEAT = 128
N_PAIRS = 640000


def setup_inputs(seed: int = 0) -> dict:
    key = jax.random.key(seed)
    k1, k2, k3, k4 = jax.random.split(key, 4)
    x = jax.random.normal(k1, (N_NODES, D_FEAT), dtype=jnp.float32)
    distances = jax.random.randint(k2, (N_PAIRS,), 0, 40).astype(jnp.float32)
    distances_index = jax.random.randint(k3, (2, N_PAIRS), 0, N_NODES, dtype=jnp.int32)
    b = jax.random.normal(k4, (MAX_PATH_DISTANCE,), dtype=jnp.float32)
    return {"x": x, "distances": distances, "distances_index": distances_index, "b": b}


def reference(x, distances, distances_index, b):
    # clamp(distances, max=max_path_distance-1).type(int) -> gather from b
    idx = jnp.minimum(distances, float(MAX_PATH_DISTANCE - 1)).astype(jnp.int32)
    vals = b[idx]
    # scatter-overwrite into a zero (N, N) matrix at (row, col) pairs
    spatial_matrix = jnp.zeros((x.shape[0], x.shape[0]), dtype=x.dtype)
    spatial_matrix = spatial_matrix.at[distances_index[0, :], distances_index[1, :]].set(vals)
    return spatial_matrix

if __name__ == "__main__":
    import jax
    _d = setup_inputs()
    print(jax.jit(kernel)(*tuple(_d.values())))

</pallas_src>

<mosaic_0001>
#map = affine_map<(d0, d1) -> (0)>
module attributes {stable_mosaic.version = 14 : i64} {
  func.func @new_body(%arg0: i32, %arg1: i32, %arg2: memref<640000xi32, #tpu.memory_space<hbm>>, %arg3: memref<640000xi32, #tpu.memory_space<hbm>>, %arg4: memref<32xf32, #tpu.memory_space<hbm>>, %arg5: memref<100000000xf32, #tpu.memory_space<hbm>>, %arg6: memref<100000000xf32, #tpu.memory_space<hbm>>, %arg7: memref<20000xi32, #tpu.memory_space<vmem>>, %arg8: memref<20000xi32, #tpu.memory_space<vmem>>, %arg9: memref<250x80xf32, #tpu.memory_space<vmem>>, %arg10: memref<250x80xi32, #tpu.memory_space<vmem>>, %arg11: memref<32xf32, #tpu.memory_space<vmem>>, %arg12: memref<!tpu.dma_semaphore, #tpu.memory_space<semaphore_mem>>) attributes {dimension_semantics = [#tpu.dimension_semantics<core_parallel>, #tpu.dimension_semantics<subcore_parallel>], iteration_bounds = array<i64: 2, 16>, scalar_prefetch = 0 : i64, scratch_operands = 6 : i64, tpu.core_type = #tpu.core_type<sc_vector_subcore>, window_params = [{transform_indices = #map}, {transform_indices = #map}, {transform_indices = #map}, {transform_indices = #map}, {transform_indices = #map}]} {
    %mul3A = arith.constant 2 : i32
    %mul3A_0 = arith.muli %arg1, %mul3A : i32
    %add3A = arith.addi %mul3A_0, %arg0 : i32
    %mul3A_1 = arith.constant 20000 : i32
    %mul3A_2 = arith.muli %add3A, %mul3A_1 : i32
    "tpu.region"() ({
      %run_scoped3A = tpu.sem_alloc : memref<!tpu.dma_semaphore, #tpu.memory_space<semaphore_mem>>
      tpu.enqueue_dma source(%arg4 : memref<32xf32, #tpu.memory_space<hbm>>) target(%arg11 : memref<32xf32, #tpu.memory_space<vmem>>) target_semaphore(%run_scoped3A : memref<!tpu.dma_semaphore, #tpu.memory_space<semaphore_mem>>)
      tpu.wait_dma2 semaphore(%run_scoped3A : memref<!tpu.dma_semaphore, #tpu.memory_space<semaphore_mem>>) src(%arg4 : memref<32xf32, #tpu.memory_space<hbm>>) dst(%arg11 : memref<32xf32, #tpu.memory_space<vmem>>)
      tpu.yield
    }) : () -> ()
    "tpu.region"() ({
      %run_scoped3A = tpu.sem_alloc : memref<!tpu.dma_semaphore, #tpu.memory_space<semaphore_mem>>
      %dma_start3A = tpu.memref_slice %arg2[%mul3A_2] : memref<640000xi32, #tpu.memory_space<hbm>> -> memref<20000xi32, #tpu.memory_space<hbm>>
      %dma_start3A_12 = tpu.memref_slice %arg2[%mul3A_2] : memref<640000xi32, #tpu.memory_space<hbm>> -> memref<20000xi32, #tpu.memory_space<hbm>>
      tpu.enqueue_dma source(%dma_start3A_12 : memref<20000xi32, #tpu.memory_space<hbm>>) target(%arg7 : memref<20000xi32, #tpu.memory_space<vmem>>) target_semaphore(%run_scoped3A : memref<!tpu.dma_semaphore, #tpu.memory_space<semaphore_mem>>)
      %dma_wait3A = tpu.memref_slice %arg2[%mul3A_2] : memref<640000xi32, #tpu.memory_space<hbm>> -> memref<20000xi32, #tpu.memory_space<hbm>>
      %dma_wait3A_13 = tpu.memref_slice %arg2[%mul3A_2] : memref<640000xi32, #tpu.memory_space<hbm>> -> memref<20000xi32, #tpu.memory_space<hbm>>
      tpu.wait_dma2 semaphore(%run_scoped3A : memref<!tpu.dma_semaphore, #tpu.memory_space<semaphore_mem>>) src(%dma_wait3A_13 : memref<20000xi32, #tpu.memory_space<hbm>>) dst(%arg7 : memref<20000xi32, #tpu.memory_space<vmem>>)
      tpu.yield
    }) : () -> ()
    "tpu.region"() ({
      %run_scoped3A = tpu.sem_alloc : memref<!tpu.dma_semaphore, #tpu.memory_space<semaphore_mem>>
      %dma_start3A = tpu.memref_slice %arg3[%mul3A_2] : memref<640000xi32, #tpu.memory_space<hbm>> -> memref<20000xi32, #tpu.memory_space<hbm>>
      %dma_start3A_12 = tpu.memref_slice %arg3[%mul3A_2] : memref<640000xi32, #tpu.memory_space<hbm>> -> memref<20000xi32, #tpu.memory_space<hbm>>
      tpu.enqueue_dma source(%dma_start3A_12 : memref<20000xi32, #tpu.memory_space<hbm>>) target(%arg8 : memref<20000xi32, #tpu.memory_space<vmem>>) target_semaphore(%run_scoped3A : memref<!tpu.dma_semaphore, #tpu.memory_space<semaphore_mem>>)
      %dma_wait3A = tpu.memref_slice %arg3[%mul3A_2] : memref<640000xi32, #tpu.memory_space<hbm>> -> memref<20000xi32, #tpu.memory_space<hbm>>
      %dma_wait3A_13 = tpu.memref_slice %arg3[%mul3A_2] : memref<640000xi32, #tpu.memory_space<hbm>> -> memref<20000xi32, #tpu.memory_space<hbm>>
      tpu.wait_dma2 semaphore(%run_scoped3A : memref<!tpu.dma_semaphore, #tpu.memory_space<semaphore_mem>>) src(%dma_wait3A_13 : memref<20000xi32, #tpu.memory_space<hbm>>) dst(%arg8 : memref<20000xi32, #tpu.memory_space<vmem>>)
      tpu.yield
    }) : () -> ()
    %scan3A = arith.constant 0 : i32
    %scan3A_3 = arith.constant 250 : i32
    %scan3A_4 = arith.addi %scan3A, %scan3A_3 : i32
    %scan3A_5 = arith.constant 1 : i32
    scf.for %scan3A_12 = %scan3A to %scan3A_4 step %scan3A_5  : i32 {
      %mul3A_13 = arith.constant 1 : i32
      %mul3A_14 = arith.muli %scan3A_12, %mul3A_13 : i32
      %add3A_15 = arith.constant 0 : i32
      %add3A_16 = arith.addi %add3A_15, %mul3A_14 : i32
      %mul3A_17 = arith.constant 80 : i32
      %mul3A_18 = arith.muli %add3A_16, %mul3A_17 : i32
      %add3A_19 = arith.constant 0 : i32
      %add3A_20 = arith.addi %mul3A_18, %add3A_19 : i32
      %get3A = arith.index_cast %add3A_20 : i32 to index
      %get3A_21 = tpu.vector_load %arg8[%get3A] {strides = array<i32>} : memref<20000xi32, #tpu.memory_space<vmem>>, vector<16xi32>,
      %gather3A = tpu.vector_load_idx %arg11[%get3A_21] : memref<32xf32, #tpu.memory_space<vmem>>[vector<16xi32>], vector<16xf32>,
      %swap3A = arith.index_cast %add3A_16 : i32 to index
      %swap3A_22 = arith.constant 0 : index
      %swap3A_23 = tpu.vector_load %arg9[%swap3A, %swap3A_22] {strides = array<i32>} : memref<250x80xf32, #tpu.memory_space<vmem>>, vector<16xf32>,
      tpu.vector_store %arg9[%swap3A, %swap3A_22], %gather3A {strides = array<i32>} : memref<250x80xf32, #tpu.memory_space<vmem>>, vector<16xf32>,
      %get3A_24 = arith.index_cast %add3A_20 : i32 to index
      %get3A_25 = tpu.vector_load %arg7[%get3A_24] {strides = array<i32>} : memref<20000xi32, #tpu.memory_space<vmem>>, vector<16xi32>,
      %swap3A_26 = arith.index_cast %add3A_16 : i32 to index
      %swap3A_27 = arith.constant 0 : index
      %swap3A_28 = tpu.vector_load %arg10[%swap3A_26, %swap3A_27] {strides = array<i32>} : memref<250x80xi32, #tpu.memory_space<vmem>>, vector<16xi32>,
      tpu.vector_store %arg10[%swap3A_26, %swap3A_27], %get3A_25 {strides = array<i32>} : memref<250x80xi32, #tpu.memory_space<vmem>>, vector<16xi32>,
      %mul3A_29 = arith.constant 80 : i32
      %mul3A_30 = arith.muli %add3A_16, %mul3A_29 : i32
      %add3A_31 = arith.constant 16 : i32
      %add3A_32 = arith.addi %mul3A_30, %add3A_31 : i32
      %get3A_33 = arith.index_cast %add3A_32 : i32 to index
      %get3A_34 = tpu.vector_load %arg8[%get3A_33] {strides = array<i32>} : memref<20000xi32, #tpu.memory_space<vmem>>, vector<16xi32>,
      %gather3A_35 = tpu.vector_load_idx %arg11[%get3A_34] : memref<32xf32, #tpu.memory_space<vmem>>[vector<16xi32>], vector<16xf32>,
      %swap3A_36 = arith.index_cast %add3A_16 : i32 to index
      %swap3A_37 = arith.constant 16 : index
      %swap3A_38 = tpu.vector_load %arg9[%swap3A_36, %swap3A_37] {strides = array<i32>} : memref<250x80xf32, #tpu.memory_space<vmem>>, vector<16xf32>,
      tpu.vector_store %arg9[%swap3A_36, %swap3A_37], %gather3A_35 {strides = array<i32>} : memref<250x80xf32, #tpu.memory_space<vmem>>, vector<16xf32>,
      %get3A_39 = arith.index_cast %add3A_32 : i32 to index
      %get3A_40 = tpu.vector_load %arg7[%get3A_39] {strides = array<i32>} : memref<20000xi32, #tpu.memory_space<vmem>>, vector<16xi32>,
      %swap3A_41 = arith.index_cast %add3A_16 : i32 to index
      %swap3A_42 = arith.constant 16 : index
      %swap3A_43 = tpu.vector_load %arg10[%swap3A_41, %swap3A_42] {strides = array<i32>} : memref<250x80xi32, #tpu.memory_space<vmem>>, vector<16xi32>,
      tpu.vector_store %arg10[%swap3A_41, %swap3A_42], %get3A_40 {strides = array<i32>} : memref<250x80xi32, #tpu.memory_space<vmem>>, vector<16xi32>,
      %mul3A_44 = arith.constant 80 : i32
      %mul3A_45 = arith.muli %add3A_16, %mul3A_44 : i32
      %add3A_46 = arith.constant 32 : i32
      %add3A_47 = arith.addi %mul3A_45, %add3A_46 : i32
      %get3A_48 = arith.index_cast %add3A_47 : i32 to index
      %get3A_49 = tpu.vector_load %arg8[%get3A_48] {strides = array<i32>} : memref<20000xi32, #tpu.memory_space<vmem>>, vector<16xi32>,
      %gather3A_50 = tpu.vector_load_idx %arg11[%get3A_49] : memref<32xf32, #tpu.memory_space<vmem>>[vector<16xi32>], vector<16xf32>,
      %swap3A_51 = arith.index_cast %add3A_16 : i32 to index
      %swap3A_52 = arith.constant 32 : index
      %swap3A_53 = tpu.vector_load %arg9[%swap3A_51, %swap3A_52] {strides = array<i32>} : memref<250x80xf32, #tpu.memory_space<vmem>>, vector<16xf32>,
      tpu.vector_store %arg9[%swap3A_51, %swap3A_52], %gather3A_50 {strides = array<i32>} : memref<250x80xf32, #tpu.memory_space<vmem>>, vector<16xf32>,
      %get3A_54 = arith.index_cast %add3A_47 : i32 to index
      %get3A_55 = tpu.vector_load %arg7[%get3A_54] {strides = array<i32>} : memref<20000xi32, #tpu.memory_space<vmem>>, vector<16xi32>,
      %swap3A_56 = arith.index_cast %add3A_16 : i32 to index
      %swap3A_57 = arith.constant 32 : index
      %swap3A_58 = tpu.vector_load %arg10[%swap3A_56, %swap3A_57] {strides = array<i32>} : memref<250x80xi32, #tpu.memory_space<vmem>>, vector<16xi32>,
      tpu.vector_store %arg10[%swap3A_56, %swap3A_57], %get3A_55 {strides = array<i32>} : memref<250x80xi32, #tpu.memory_space<vmem>>, vector<16xi32>,
      %mul3A_59 = arith.constant 80 : i32
      %mul3A_60 = arith.muli %add3A_16, %mul3A_59 : i32
      %add3A_61 = arith.constant 48 : i32
      %add3A_62 = arith.addi %mul3A_60, %add3A_61 : i32
      %get3A_63 = arith.index_cast %add3A_62 : i32 to index
      %get3A_64 = tpu.vector_load %arg8[%get3A_63] {strides = array<i32>} : memref<20000xi32, #tpu.memory_space<vmem>>, vector<16xi32>,
      %gather3A_65 = tpu.vector_load_idx %arg11[%get3A_64] : memref<32xf32, #tpu.memory_space<vmem>>[vector<16xi32>], vector<16xf32>,
      %swap3A_66 = arith.index_cast %add3A_16 : i32 to index
      %swap3A_67 = arith.constant 48 : index
      %swap3A_68 = tpu.vector_load %arg9[%swap3A_66, %swap3A_67] {strides = array<i32>} : memref<250x80xf32, #tpu.memory_space<vmem>>, vector<16xf32>,
      tpu.vector_store %arg9[%swap3A_66, %swap3A_67], %gather3A_65 {strides = array<i32>} : memref<250x80xf32, #tpu.memory_space<vmem>>, vector<16xf32>,
      %get3A_69 = arith.index_cast %add3A_62 : i32 to index
      %get3A_70 = tpu.vector_load %arg7[%get3A_69] {strides = array<i32>} : memref<20000xi32, #tpu.memory_space<vmem>>, vector<16xi32>,
      %swap3A_71 = arith.index_cast %add3A_16 : i32 to index
      %swap3A_72 = arith.constant 48 : index
      %swap3A_73 = tpu.vector_load %arg10[%swap3A_71, %swap3A_72] {strides = array<i32>} : memref<250x80xi32, #tpu.memory_space<vmem>>, vector<16xi32>,
      tpu.vector_store %arg10[%swap3A_71, %swap3A_72], %get3A_70 {strides = array<i32>} : memref<250x80xi32, #tpu.memory_space<vmem>>, vector<16xi32>,
      %mul3A_74 = arith.constant 80 : i32
      %mul3A_75 = arith.muli %add3A_16, %mul3A_74 : i32
      %add3A_76 = arith.constant 64 : i32
      %add3A_77 = arith.addi %mul3A_75, %add3A_76 : i32
      %get3A_78 = arith.index_cast %add3A_77 : i32 to index
      %get3A_79 = tpu.vector_load %arg8[%get3A_78] {strides = array<i32>} : memref<20000xi32, #tpu.memory_space<vmem>>, vector<16xi32>,
      %gather3A_80 = tpu.vector_load_idx %arg11[%get3A_79] : memref<32xf32, #tpu.memory_space<vmem>>[vector<16xi32>], vector<16xf32>,
      %swap3A_81 = arith.index_cast %add3A_16 : i32 to index
      %swap3A_82 = arith.constant 64 : index
      %swap3A_83 = tpu.vector_load %arg9[%swap3A_81, %swap3A_82] {strides = array<i32>} : memref<250x80xf32, #tpu.memory_space<vmem>>, vector<16xf32>,
      tpu.vector_store %arg9[%swap3A_81, %swap3A_82], %gather3A_80 {strides = array<i32>} : memref<250x80xf32, #tpu.memory_space<vmem>>, vector<16xf32>,
      %get3A_84 = arith.index_cast %add3A_77 : i32 to index
      %get3A_85 = tpu.vector_load %arg7[%get3A_84] {strides = array<i32>} : memref<20000xi32, #tpu.memory_space<vmem>>, vector<16xi32>,
      %swap3A_86 = arith.index_cast %add3A_16 : i32 to index
      %swap3A_87 = arith.constant 64 : index
      %swap3A_88 = tpu.vector_load %arg10[%swap3A_86, %swap3A_87] {strides = array<i32>} : memref<250x80xi32, #tpu.memory_space<vmem>>, vector<16xi32>,
      tpu.vector_store %arg10[%swap3A_86, %swap3A_87], %get3A_85 {strides = array<i32>} : memref<250x80xi32, #tpu.memory_space<vmem>>, vector<16xi32>,
    }
    %scan3A_6 = arith.constant 250 : i32
    %scan3A_7 = arith.constant 0 : i32
    %scan3A_8 = arith.constant 250 : i32
    %scan3A_9 = arith.addi %scan3A_7, %scan3A_8 : i32
    %scan3A_10 = arith.constant 1 : i32
    scf.for %scan3A_12 = %scan3A_7 to %scan3A_9 step %scan3A_10  : i32 {
      %mul3A_13 = arith.constant 1 : i32
      %mul3A_14 = arith.muli %scan3A_12, %mul3A_13 : i32
      %add3A_15 = arith.constant 0 : i32
      %add3A_16 = arith.addi %add3A_15, %mul3A_14 : i32
      "tpu.region"() ({
        %run_scoped3A = tpu.sem_alloc : memref<!tpu.dma_semaphore, #tpu.memory_space<semaphore_mem>>
        %dma_start3A = arith.constant 0 : i32
        %dma_start3A_17 = tpu.memref_slice %arg9[%add3A_16, %dma_start3A] : memref<250x80xf32, #tpu.memory_space<vmem>> -> memref<1x80xf32, #tpu.memory_space<vmem>>
        %dma_start3A_18 = tpu.memref_squeeze %dma_start3A_17 : memref<1x80xf32, #tpu.memory_space<vmem>> -> memref<80xf32, #tpu.memory_space<vmem>>
        %dma_start3A_19 = arith.constant 0 : i32
        %dma_start3A_20 = tpu.memref_slice %arg10[%add3A_16, %dma_start3A_19] : memref<250x80xi32, #tpu.memory_space<vmem>> -> memref<1x80xi32, #tpu.memory_space<vmem>>
        %dma_start3A_21 = tpu.memref_squeeze %dma_start3A_20 : memref<1x80xi32, #tpu.memory_space<vmem>> -> memref<80xi32, #tpu.memory_space<vmem>>
        %dma_start3A_22 = arith.constant 0 : i32
        %dma_start3A_23 = tpu.memref_slice %arg5[%dma_start3A_22] : memref<100000000xf32, #tpu.memory_space<hbm>> -> memref<100000000xf32, #tpu.memory_space<hbm>>
        tpu.enqueue_indirect_dma source(%dma_start3A_18 : memref<80xf32, #tpu.memory_space<vmem>>) target(%dma_start3A_23 : memref<100000000xf32, #tpu.memory_space<hbm>>) offsets(%dma_start3A_21 : memref<80xi32, #tpu.memory_space<vmem>>) semaphore(%run_scoped3A : memref<!tpu.dma_semaphore, #tpu.memory_space<semaphore_mem>>)
        %dma_wait3A = arith.constant 0 : i32
        %dma_wait3A_24 = tpu.memref_slice %arg9[%add3A_16, %dma_wait3A] : memref<250x80xf32, #tpu.memory_space<vmem>> -> memref<1x80xf32, #tpu.memory_space<vmem>>
        %dma_wait3A_25 = tpu.memref_squeeze %dma_wait3A_24 : memref<1x80xf32, #tpu.memory_space<vmem>> -> memref<80xf32, #tpu.memory_space<vmem>>
        %dma_wait3A_26 = arith.constant 0 : i32
        %dma_wait3A_27 = tpu.memref_slice %arg10[%add3A_16, %dma_wait3A_26] : memref<250x80xi32, #tpu.memory_space<vmem>> -> memref<1x80xi32, #tpu.memory_space<vmem>>
        %dma_wait3A_28 = tpu.memref_squeeze %dma_wait3A_27 : memref<1x80xi32, #tpu.memory_space<vmem>> -> memref<80xi32, #tpu.memory_space<vmem>>
        %dma_wait3A_29 = arith.constant 0 : i32
        %dma_wait3A_30 = tpu.memref_slice %arg5[%dma_wait3A_29] : memref<100000000xf32, #tpu.memory_space<hbm>> -> memref<100000000xf32, #tpu.memory_space<hbm>>
        tpu.wait_indirect_dma semaphore(%run_scoped3A : memref<!tpu.dma_semaphore, #tpu.memory_space<semaphore_mem>>) src(%dma_wait3A_25 : memref<80xf32, #tpu.memory_space<vmem>>) dst(%dma_wait3A_30 : memref<100000000xf32, #tpu.memory_space<hbm>>)
        tpu.yield
      }) : () -> ()
    }
    %scan3A_11 = arith.constant 250 : i32
    return
  }
}

</mosaic_0001>

<sc_bundles>
// kernel: _run.3.cloned.1.call-start
scs
__scs_entry_jumppad:
0x0: {  	(pc) =	sbr.rel $0x88, $3  }
0x1: {  	(tag) =	ssettag $0x0;
	lr =	simm.s32 $0x1  }
0x2: {  	[smem:$0x3F9E] =	sst lr;
	_ =	strace $0xD0000000  }
0x3: {  	_ = 	snop  }
0x4: {  	_ = 	snop  }
0x5: {  	_ = 	snop  }
0x6: {  	_ = 	snop  }
0x7: {  	_ = 	snop  }
__scs_overlays_trampoline_lowered:
0x8: {  	[smem:$0x3FAD] =	sst s0  }
0x9: {  	[smem:$0x3FAE] =	sst s1  }
0xa: {  	[smem:$0x3FAF] =	sst s2  }
0xb: {  	[smem:$0x3FB0] =	sst s3  }
0xc: {  	[smem:$0x3FB1] =	sst s4  }
0xd: {  	[smem:$0x3FB2] =	sst s5  }
0xe: {  	[smem:$0x3FB3] =	sst s6  }
0xf: {  	[smem:$0x3FB4] =	sst s7  }
0x10: {  	[smem:$0x3FB5] =	sst s8  }
0x11: {  	[smem:$0x3FB6] =	sst s9;
	s0 =	simm.s32 @!p0 $0x0  }
0x12: {  	s1 =	sld [smem:$0x3F9C];
	s0 =	simm.s32 @p0 $0x1  }
0x13: {  	[smem:$0x3FB7] =	sst s0;
	s0 =	simm.s32 @!p1 $0x0  }
0x14: {  	s2 =	sld [smem:$0x3F9B];
	s0 =	simm.s32 @p1 $0x1  }
0x15: {  	[smem:$0x3FB8] =	sst s0;
	s0 =	simm.s32 @!p2 $0x0  }
0x16: {  	s3 =	sld [smem:$0x3FDB];
	s0 =	simm.s32 @p2 $0x1  }
0x17: {  	s4 =	simm.s32 $0x1BF5;
	[smem:$0x3FBA] =	sst s0  }
0x18: {  	s0 =	sld [smem:$0x3F9D];
	_ =	swait.ge [sflag:s4], $0x0  }
0x19: {  	s7 =	sld [smem:$0x3F9E]  }
0x1a: {  	s8 =	sadd.s32 $0xFFFFE003, lr  }
0x1b: {  	s9 =	sadd.s32 $0xFFFFFEF7, lr;
	s5 =	simm.s32 $0xFFFFFFFF;
	p2 =	slt.u32 s8, $0xFFFFF086  }
0x1c: {  	p1 =	slt.u32 s9, $0xF7A;
	s5 =	simm.s32 @!p2 $0x0  }
0x1d: {  	s5 =	simm.s32 @p1 $0x1;
	p0 =	seq.s32 s7, s2  }
0x1e: {  	s7 =	smul.u32 @!p0 $0xF7A, s2;
	p2 =	seq.s32 @!p0 s5, $0x0  }
0x1f: {  	s9 =	smul.u32 $0xF7A, s1;
	s8 =	simm.s32 @!p0 $0x1BF5;
	p2 =	por !p2, p0  }
0x20: {  	[sflag:s8] =	ssyncset.s32 @!p0 $0xFFFFF086;
	s6 =	sadd.s32 @!p0 s3, s7;
	s7 =	simm.s32 @!p0 $0x108  }
0x21: {  	s3 =	sadd.s32 s3, s9;
	s6 =	sadd.s32 @!p0 $0x88, s6;
	s7 =	simm.s32 @p2 $0x1082  }
0x22: {  	[simem:s7], [sflag:s8] =	dma.local @!p0 [hbm:s6], $0xF7A  }
0x23: {  	s9 =	sor.u32 $0xD0000000, s2;
	s6 =	simm.s32 $0x108;
	_ =	swait.ge @!p0 [sflag:s8], $0x0  }
0x24: {  	s3 =	sadd.s32 $0x88, s3;
	s6 =	simm.s32 @!p1 $0x1082;
	[sflag:s4] =	ssyncset.s32 $0xFFFFF086  }
0x25: {  	[simem:s6], [sflag:s4] =	dma.local [hbm:s3], $0xF7A  }
0x26: {  	[smem:$0x3F9E] =	sst s1;
	(tag) =	ssettag s2;
	_ =	strace s9  }
0x27: {  	s1 =	sld [smem:$0x3FAE]  }
0x28: {  	s2 =	sld [smem:$0x3FAF]  }
0x29: {  	s4 =	sld [smem:$0x3FB1]  }
0x2a: {  	p0 =	seq.s32 s5, $0x0;
	s5 =	sld [smem:$0x3FB2]  }
0x2b: {  	s6 =	sld [smem:$0x3FB3]  }
0x2c: {  	s7 =	sld [smem:$0x3FB4]  }
0x2d: {  	s3 =	simm.s32 $0x108;
	s8 =	sld [smem:$0x3FB5]  }
0x2e: {  	s3 =	simm.s32 @!p0 $0x1082;
	s9 =	sld [smem:$0x3FB6]  }
0x2f: {  	lr =	sadd.s32 s0, s3;
	s0 =	sld [smem:$0x3FAD]  }
0x30: {  	s3 =	sld [smem:$0x3FB0]  }
0x31: {  	[smem:$0x3FB9] =	sst s10  }
0x32: {  	s10 =	sld [smem:$0x3FB7];
	_ =	sdelay $0x3  }
0x33: {  	p0 =	seq.s32 s10, $0x1;
	s10 =	sld [smem:$0x3FB9];
	_ =	sdelay $0x3  }
0x34: {  	[smem:$0x3FB9] =	sst s10  }
0x35: {  	s10 =	sld [smem:$0x3FB8];
	_ =	sdelay $0x3  }
0x36: {  	p1 =	seq.s32 s10, $0x1;
	s10 =	sld [smem:$0x3FB9];
	_ =	sdelay $0x3  }
0x37: {  	[smem:$0x3FB9] =	sst s10  }
0x38: {  	s10 =	sld [smem:$0x3FBA]  }
0x39: {  	_ = 	snop;
	(pc) =	sbr.ind lr, $3  }
0x3a: {  	_ = 	snop  }
0x3b: {  	_ = 	snop  }
0x3c: {  	p2 =	seq.s32 s10, $0x1;
	s10 =	sld [smem:$0x3FB9]  }
0x3d: {  	_ =	shalt  }
0x3e: {  	_ =	shalt  }
0x3f: {  	_ =	shalt  }
0x40: {  	_ =	shalt  }
0x41: {  	_ =	shalt  }
0x42: {  	_ =	shalt  }
0x43: {  	_ =	shalt  }
0x44: {  	_ =	shalt  }
0x45: {  	_ =	shalt  }
0x46: {  	_ =	shalt  }
0x47: {  	_ =	shalt  }
0x48: {  	_ =	shalt  }
0x49: {  	_ =	shalt  }
0x4a: {  	_ =	shalt  }
0x4b: {  	_ =	shalt  }
0x4c: {  	_ =	shalt  }
0x4d: {  	_ =	shalt  }
0x4e: {  	_ =	shalt  }
0x4f: {  	_ =	shalt  }
0x50: {  	_ =	shalt  }
0x51: {  	_ =	shalt  }
0x52: {  	_ =	shalt  }
0x53: {  	_ =	shalt  }
0x54: {  	_ =	shalt  }
0x55: {  	_ =	shalt  }
0x56: {  	_ =	shalt  }
0x57: {  	_ =	shalt  }
0x58: {  	_ =	shalt  }
0x59: {  	_ =	shalt  }
0x5a: {  	_ =	shalt  }
0x5b: {  	_ =	shalt  }
0x5c: {  	_ =	shalt  }
0x5d: {  	_ =	shalt  }
0x5e: {  	_ =	shalt  }
0x5f: {  	_ =	shalt  }
0x60: {  	_ =	shalt  }
0x61: {  	_ =	shalt  }
0x62: {  	_ =	shalt  }
0x63: {  	_ =	shalt  }
0x64: {  	_ =	shalt  }
0x65: {  	_ =	shalt  }
0x66: {  	_ =	shalt  }
0x67: {  	_ =	shalt  }
0x68: {  	_ =	shalt  }
0x69: {  	_ =	shalt  }
0x6a: {  	_ =	shalt  }
0x6b: {  	_ =	shalt  }
0x6c: {  	_ =	shalt  }
0x6d: {  	_ =	shalt  }
0x6e: {  	_ =	shalt  }
0x6f: {  	_ =	shalt  }
0x70: {  	_ =	shalt  }
0x71: {  	_ =	shalt  }
0x72: {  	_ =	shalt  }
0x73: {  	_ =	shalt  }
0x74: {  	_ =	shalt  }
0x75: {  	_ =	shalt  }
0x76: {  	_ =	shalt  }
0x77: {  	_ =	shalt  }
0x78: {  	_ =	shalt  }
0x79: {  	_ =	shalt  }
0x7a: {  	_ =	shalt  }
0x7b: {  	_ =	shalt  }
0x7c: {  	_ =	shalt  }
0x7d: {  	_ =	shalt  }
0x7e: {  	_ =	shalt  }
0x7f: {  	_ =	shalt  }
0x80: {  	_ =	shalt  }
0x81: {  	_ =	shalt  }
0x82: {  	_ =	shalt  }
0x83: {  	_ =	shalt  }
0x84: {  	_ =	shalt  }
0x85: {  	_ =	shalt  }
0x86: {  	_ =	shalt  }
0x87: {  	_ =	shalt  }
.Lfunc_end0:
.L_simem_size_0:
called_computation_lowered:
.L_overlay_start_0:
0x88: {  	s2 =	sld [smem:$0x3FD9]  }
0x89: {  	s3 =	sld [smem:$0x3FFE];
	_ =	sdelay $0x1  }
0x8a: {  	s1 =	srdreg.scid  }
0x8b: {  	s0 =	sand.u32 $0x1, s1  }
0x8c: {  	s17 =	sshll.u32 s0, $0xA;
	s2 =	sadd.s32 s3, s2  }
0x8d: {  	s2 =	sadd.s32 s2, s17  }
0x8e: {  	[smem:$0x3FC5] =	sst s2  }
0x8f: {  	_ = 	snop  }
0x90: {  	s2 =	sld [smem:$0x3FC9]  }
0x91: {  	s18 =	sld [smem:$0x3FC8]  }
0x92: {  	s4 =	sld [smem:$0x3FC7];
	(tm) =	ssettm $0x1  }
0x93: {  	s5 =	sld [smem:$0x3FFB];
	_ =	sdelay $0x3  }
0x94: {  	_ =	strace s5  }
0x95: {  	s5 =	sld [smem:$0x3FFC];
	_ =	sdelay $0x3  }
0x96: {  	_ =	strace s5  }
0x97: {  	s5 =	sld [smem:$0x3FFD];
	_ =	sdelay $0x3  }
0x98: {  	_ =	strace s5  }
0x99: {  	_ =	strace $0x8FFFFFFF  }
0x9a: {  	s19 =	sld [smem:$0x3FDB];
	_ =	sdelay $0x1  }
0x9b: {  	s6 =	simm.s32 $_scs_section_size  }
0x9c: {  	s7 =	simm.s32 $_size__tile_overlayer_lowered;
	s8 =	simm.s32 $_tile_overlayer_lowered  }
0x9d: {  	s22 =	simm.s32 $0x1BFF;
	s21 =	sshll.u32 s8, $0x1;
	s5 =	sadd.s32 s6, s19  }
0x9e: {  	s9 =	simm.s32 $0x0;
	s20 =	sshll.u32 s7, $0x1;
	s7 =	sadd.s32 s21, s5  }
0x9f: {  	[timem:s9], [sflag:s22] =	dma.local [hbm:s7], s20  }
0xa0: {  	_ =	swait.ge [sflag:s22], s20  }
0xa1: {  	s6 =	ssub.s32 $0x0, s20;
	[sflag:s22] =	ssyncset.done $0x0  }
0xa2: {  	[sflag:s22] =	ssyncadd.s32 s6;
	_ =	sdelay $0x1  }
0xa3: {  	s23 =	simm.s32 $0x1B8B  }
0xa4: {  	_ =	swait.ge [sflag:s23], $0x1  }
0xa5: {  	[sflag:s23] =	ssyncset.done $0x0  }
0xa6: {  	s25 =	simm.s32 $0x1B8E;
	s24 =	sld [smem:$0x3FFE];
	[sflag:s23] =	ssyncadd.s32 $0xFFFFFFFF  }
0xa7: {  	s26 =	simm.s32 $execute0_lowered;
	[smem:$0x3FD2] =	sst s25  }
0xa8: {  	s7 =	sshll.u32 s26, $0x1;
	_ =	strace $0x80000046;
	[dreg:$0x1] =	wrdreg $0xFFFFFFFF  }
0xa9: {  	s28 =	simm.s32 $_size_execute0_lowered;
	s5 =	sadd.s32 s5, s7;
	[dreg:$0x0] =	wrdreg $0x0  }
0xaa: {  	s7 =	sshll.u32 s28, $0x1;
	[dreg:$0x2] =	wrdreg s5  }
0xab: {  	[dreg:$0x3] =	wrdreg s7  }
0xac: {  	[dreg:$0x4] =	wrdreg $0xC0  }
0xad: {  	_ =	task [dreg:s9], $0x5FFFF  }
0xae: {  	[dreg:$0x1] =	wrdreg $0xFFFFFFFF  }
0xaf: {  	[dreg:$0x0] =	wrdreg $0x60  }
0xb0: {  	[dreg:$0x2] =	wrdreg s2  }
0xb1: {  	[dreg:$0x3] =	wrdreg s18  }
0xb2: {  	[dreg:$0x4] =	wrdreg s4  }
0xb3: {  	[dreg:$0x5] =	wrdreg s24  }
0xb4: {  	[dreg:$0x6] =	wrdreg $0x9  }
0xb5: {  	_ =	task.clear_ibuf [dreg:s9], $0x7FFFF;
	_ =	strace $0x90000046  }
0xb6: {  	s29 =	simm.s32 $0x9;
	_ =	strace $0x80000048  }
0xb7: {  	_ =	swait.ge [sflag:s29], $0x1  }
0xb8: {  	[sflag:s29] =	ssyncadd.s32 $0xFFFFFFFF  }
0xb9: {  	_ =	strace $0x90000048  }
0xba: {  	_ =	sfence  }
0xbb: {  	s30 =	sld [smem:$0x0];
	_ =	sdelay $0x2  }
0xbc: {  	s31 =	sshll.u32 s1, $0xD;
	s1 =	sshrl.u32 s1, $0x2  }
0xbd: {  	s3 =	sand.u32 $0x4000, s31;
	s1 =	sadd.s32 s1, s30  }
0xbe: {  	s0 =	sor.u32 s3, s0;
	s1 =	sshll.u32 s1, $0x11  }
0xbf: {  	s0 =	sor.u32 s1, s0  }
0xc0: {  	s0 =	sadd.s32 $0x8F2B, s0  }
0xc1: {  	[sflag:s0] =	ssyncadd.remote.s32 $0x1  }
0xc2: {  	_ =	sfence.sel $0xFFFF  }
0xc3: {  	[dreg:$0x0] =	wrdreg $0xFFFFFFFF;
	(pc) =	sbr.abs _section_cstart, $3  }
0xc4: {  	[dreg:$0x1] =	wrdreg $0xFFFFFFFF  }
0xc5: {  	_ =	task.clear_ibuf [dreg:s9], $0x2FFFF;
	_ =	strace $0x9FFFFFFF  }
0xc6: {  	(tm) =	ssettm $0x7FFFFFFF  }
0xc7: {  	_ =	shalt  }
tec
execute0_lowered:
.L_overlay_start_1:
0x0: {  	(tag) =	ssettag $0x1  }
0x1: {  	s5 =	rddreg [dreg:$0x0]  }
0x2: {  	s6 =	rddreg [dreg:$0x1]  }
0x3: {  	s2 =	rddreg [dreg:$0x2]  }
0x4: {  	s1 =	srdreg.scid;
	s0 =	stileid.u32  }
0x5: {  	s4 =	rddreg [dreg:$0x3];
	s3 =	simm.s32 $0x0;
	s10 =	simm.s32 $0x4E80  }
0x6: {  	s11 =	simm.s32 $0x50;
	s7 =	sand.u32 $0x1, s1;
	s8 =	sshll.u32 s0, $0x1  }
0x7: {  	s12 =	simm.s32 $0x0;
	s1 =	rddreg [dreg:$0x4];
	s8 =	sor.u32 s7, s8  }
0x8: {  	[smem:$0x7FF] =	sst s3;
	s7 =	ssub.s32 $0x2, s7;
	s8 =	smul.u32 $0x9C4, s8  }
0x9: {  	s4 =	sadd.s32 $0x400, s4;
	_ =	strace $0x80000047;
	s9 =	sshrl.u32 s7, $0x1  }
0xa: {  	s7 =	ssub.s32 s7, s9;
	s9 =	simm.s32 $0x1;
	s5 =	sadd.s32 s5, s8  }
0xb: {  	s6 =	sadd.s32 s6, s8;
	s7 =	smax.u32 s7, $0x1;
	s8 =	simm.s32 $0x19D00  }
.LBB2_1:
0xc: {  	[tilespmem:s8], [sflag:$0x1] =	stream.linear.gather [hbm4b:s2+s3], $0x80, $0x38;
	[tilespmem:$0x19D80] =	vst v63  }
0xd: {  	_ =	swait.ge [sflag:s9], $0x80  }
0xe: {  	[sflag:s9] =	ssyncset.done $0x0  }
0xf: {  	[sflag:s9] =	ssyncadd.s32 $0xFFFFFF80  }
0x10: {  	[tilespmem:s3], [sflag:$0x1] =	stream.linear.gather [hbm4b:s5+s3], $0x4E20, $0x38;
	[tilespmem:$0x19D80] =	vst v63  }
0x11: {  	_ =	swait.ge [sflag:s9], $0x4E20  }
0x12: {  	[sflag:s9] =	ssyncset.done $0x0  }
0x13: {  	[sflag:s9] =	ssyncadd.s32 $0xFFFFB1E0  }
0x14: {  	[tilespmem:s10], [sflag:$0x1] =	stream.linear.gather [hbm4b:s6+s3], $0x4E20, $0x38;
	[tilespmem:$0x19D80] =	vst v63  }
0x15: {  	_ =	swait.ge [sflag:s9], $0x4E20  }
0x16: {  	s13 =	simm.s32 $0x20;
	[sflag:s9] =	ssyncset.done $0x0  }
0x17: {  	s14 =	simm.s32 $0x4EA0;
	s15 =	simm.s32 $0x0;
	[sflag:s9] =	ssyncadd.s32 $0xFFFFB1E0  }
.LBB2_2:
0x18: {  	v0 =	vld [tilespmem:s14+$0xFFFFFFE0];
	_ =	sdelay $0x7  }
0x19: {  	v0 =	vld.idx.msk [tilespmem:v0+s8+$0x0], $0xffff;
	_ =	sdelay $0x3  }
0x1a: {  	s16 =	sshra.s32 s15, $0x2  }
0x1b: {  	[tilespmem:s16+$0x9D00] =	vst v0  }
0x1c: {  	v0 =	vld [tilespmem:s13+$0xFFFFFFE0];
	_ =	sdelay $0x4  }
0x1d: {  	[tilespmem:s16+$0x11D00] =	vst v0  }
0x1e: {  	v0 =	vld [tilespmem:s14+$0xFFFFFFF0];
	_ =	sdelay $0x7  }
0x1f: {  	v0 =	vld.idx.msk [tilespmem:v0+s8+$0x0], $0xffff;
	_ =	sdelay $0x4  }
0x20: {  	[tilespmem:s16+$0x9D10] =	vst v0  }
0x21: {  	v0 =	vld [tilespmem:s13+$0xFFFFFFF0];
	_ =	sdelay $0x4  }
0x22: {  	[tilespmem:s16+$0x11D10] =	vst v0  }
0x23: {  	v0 =	vld [tilespmem:s14+$0x0];
	_ =	sdelay $0x7  }
0x24: {  	v0 =	vld.idx.msk [tilespmem:v0+s8+$0x0], $0xffff;
	_ =	sdelay $0x4  }
0x25: {  	[tilespmem:s16+$0x9D20] =	vst v0  }
0x26: {  	v0 =	vld [tilespmem:s13+$0x0];
	_ =	sdelay $0x4  }
0x27: {  	[tilespmem:s16+$0x11D20] =	vst v0  }
0x28: {  	v0 =	vld [tilespmem:s14+$0x10];
	_ =	sdelay $0x7  }
0x29: {  	v0 =	vld.idx.msk [tilespmem:v0+s8+$0x0], $0xffff;
	_ =	sdelay $0x4  }
0x2a: {  	[tilespmem:s16+$0x9D30] =	vst v0  }
0x2b: {  	v0 =	vld [tilespmem:s13+$0x10];
	_ =	sdelay $0x4  }
0x2c: {  	[tilespmem:s16+$0x11D30] =	vst v0  }
0x2d: {  	v0 =	vld [tilespmem:s14+$0x20];
	_ =	sdelay $0x7  }
0x2e: {  	v0 =	vld.idx.msk [tilespmem:v0+s8+$0x0], $0xffff;
	_ =	sdelay $0x4  }
0x2f: {  	[tilespmem:s16+$0x9D40] =	vst v0  }
0x30: {  	p0 =	sne.s32 s15, $0x1F200;
	v0 =	vld [tilespmem:s13+$0x20]  }
.Ltmp0:
0x31: {  	_ = 	snop;
	(pc) =	sbr.rel @p0 .LBB2_2-.Ltmp0, $2  }
0x32: {  	_ =	sdelay $0x2  }
0x33: {  	s15 =	sadd.s32 $0x200, s15;
	s14 =	sadd.s32 $0x50, s14;
	s13 =	sadd.s32 $0x50, s13;
	[tilespmem:s16+$0x11D40] =	vst v0  }
0x34: {  	s13 =	simm.s32 $0x9D00;
	s14 =	simm.s32 $0x11D00  }
0x35: {  	[hbm4b:s4+s11] =	stream.indirect.scatter [tilespmem:s13], [sflag:$0x1], $0x1, s14, s11, $0xb8;
	[tilespmem:$0x19D80] =	vst v63  }
0x36: {  	s13 =	simm.s32 $0x200;
	_ =	swait.ge [sflag:s9], $0x50  }
.LBB2_4:
0x37: {  	s14 =	sshra.s32 s13, $0x2  }
0x38: {  	[sflag:s9] =	ssyncset.done $0x0;
	p0 =	sne.s32 s13, $0x1F200;
	s15 =	sadd.s32 $0x9D00, s14  }
.Ltmp1:
0x39: {  	s14 =	sadd.s32 $0x11D00, s14;
	[sflag:s9] =	ssyncadd.s32 $0xFFFFFFB0;
	(pc) =	sbr.rel @p0 .LBB2_4-.Ltmp1, $3  }
0x3a: {  	[hbm4b:s4+s11] =	stream.indirect.scatter [tilespmem:s15], [sflag:$0x1], $0x1, s14, s11, $0xb8;
	[tilespmem:$0x19D80] =	vst v63  }
0x3b: {  	s13 =	sadd.s32 $0x200, s13;
	_ =	sdelay $0x1  }
0x3c: {  	_ =	swait.ge [sflag:s9], $0x50  }
0x3d: {  	s12 =	sadd.s32 $0x1, s12  }
0x3e: {  	p0 =	sne.s32 s12, s7  }
.Ltmp2:
0x3f: {  	_ = 	snop;
	(pc) =	sbr.rel @p0 .LBB2_1-.Ltmp2, $3  }
0x40: {  	_ =	sdelay $0x1  }
0x41: {  	[sflag:s9] =	ssyncset.done $0x0  }
0x42: {  	[sflag:s9] =	ssyncadd.s32 $0xFFFFFFB0  }
0x43: {  	_ =	sfence.sel $0x180000  }
0x44: {  	[bflag:$0x0] =	sbarrier.arrive $0xFFFF  }
0x45: {  	p0 =	sne.s32 s0, $0x0;
	_ =	strace $0x90000047  }
0x46: {  	s0 =	sadd.s32 @!p0 $0x100000, s1;
	[bflag:$0x2] =	sbarrier.arrive $0xFFFF  }
0x47: {  	[sflag:s0] =	ssyncadd.tile.s32 @!p0 $0x1;
	_ =	shalt  }
.Lfunc_end2:
_tile_overlayer_lowered:
.L_overlay_start_2:
0x48: {  	(tag) =	ssettag $0x2  }
0x49: {  	s0 =	rddreg [dreg:$0x0];
	s2 =	stileid.u32  }
0x4a: {  	s1 =	rddreg [dreg:$0x1];
	p0 =	sne.s32 s2, $0x0  }
0x4b: {  	s3 =	rddreg [dreg:$0x2];
	[bflag:$0x3] =	sbarrier.arrive $0xFFFF;
	s2 =	simm.s32 @!p0 $0x1C01  }
0x4c: {  	[timem:s3], [sflag:s2] =	dma.local @!p0 [hbm:s0], s1  }
0x4d: {  	s0 =	simm.s32 @!p0 $0x1  }
0x4e: {  	_ =	swait.ge @!p0 [sflag:s0], s1  }
0x4f: {  	s1 =	ssub.s32 @!p0 $0x0, s1;
	[sflag:s0] =	ssyncset.done @!p0 $0x0  }
0x50: {  	[sflag:s0] =	ssyncadd.s32 @!p0 s1  }
0x51: {  	[bflag:$0x3] =	sbarrier.arrive $0xFFFF  }
0x52: {  	_ =	shalt  }

</sc_bundles>
